<compile_context>
chip_gen: v7x
topology: tpu7x:2x2x1
jax: 0.10.2.dev20260603
libtpu: 0.0.44.dev20260713+nightly
codegen_flags: <defaults>
</compile_context>

<pallas_src>
import numpy as np
import jax
import jax.numpy as jnp
from jax.experimental import pallas as pl
from jax.experimental.pallas import tpu as pltpu

B, S, D = 2, 4096, 1024
H, BS, R = 16, 64, 3
N = S // BS
M = N - 4
DH = D // H
SCALE = 1.0 / float(np.sqrt(DH))
EPS = 1e-12

BM = 512
PM = 1024
PN = 768


def _proj_kernel(x_ref, w_ref, o_ref):
    o_ref[...] = jax.lax.dot_general(
        x_ref[...], w_ref[...], (((1,), (0,)), ((), ())),
        preferred_element_type=jnp.float32).astype(jnp.bfloat16)


CH = 4
KB = 4 * CH + 4
KEYS = KB * BS


def _attn_kernel(r_ref, q_ref, k_ref, v_ref, o_ref):
    h = pl.program_id(1)
    ones_col = jnp.concatenate(
        [jnp.ones((KEYS if KEYS > S else S, 1), jnp.bfloat16),
         jnp.zeros((KEYS if KEYS > S else S, DH - 1), jnp.bfloat16)], axis=1)

    o_ref[0, 0, 0:2 * BS, :] = q_ref[0, 0, 0:2 * BS, :]
    o_ref[0, 0, S - 2 * BS:S, :] = q_ref[0, 0, S - 2 * BS:S, :]

    qb = jax.lax.broadcasted_iota(jnp.int32, (CH * BS, KEYS), 0) // BS
    kb = jax.lax.broadcasted_iota(jnp.int32, (CH * BS, KEYS), 1) // BS
    band = (kb < CH + 2) & (qb <= kb) & (kb <= qb + 2)
    fl = (kb >= CH + 2) & (kb < CH + 4)
    rnd = (kb >= CH + 4) & ((kb - (CH + 4)) // R == qb)
    addmask = jnp.where(band | fl | rnd, 0.0, -1e9).astype(jnp.bfloat16)

    def body(c, carry):
        blk = c * CH
        q_c = q_ref[0, 0, pl.ds((blk + 2) * BS, CH * BS), :]
        kparts = [k_ref[0, 0, pl.ds((blk + 1) * BS, (CH + 2) * BS), :],
                  k_ref[0, 0, 0:BS, :], k_ref[0, 0, S - BS:S, :]]
        vparts = [v_ref[0, 0, pl.ds((blk + 1) * BS, (CH + 2) * BS), :],
                  v_ref[0, 0, 0:BS, :], v_ref[0, 0, S - BS:S, :]]
        for i in range(CH):
            for j in range(R):
                rij = r_ref[h, blk + i, j]
                kparts.append(k_ref[0, 0, pl.ds(rij * BS, BS), :])
                vparts.append(v_ref[0, 0, pl.ds(rij * BS, BS), :])
        kk = jnp.concatenate(kparts, axis=0)
        s = jax.lax.dot_general(q_c, kk, (((1,), (1,)), ((), ())),
                                preferred_element_type=jnp.float32) * SCALE
        p = jnp.exp(s.astype(jnp.bfloat16) + addmask)
        vv = jnp.concatenate(vparts, axis=0)
        va = jnp.concatenate([vv, ones_col[:KEYS]], axis=1)
        o = jax.lax.dot_general(p, va, (((1,), (0,)), ((), ())),
                                preferred_element_type=jnp.float32)
        ctx = o[:, 0:DH] * (1.0 / o[:, DH:DH + 1])
        o_ref[0, 0, pl.ds((blk + 2) * BS, CH * BS), :] = ctx.astype(jnp.bfloat16)
        return carry

    jax.lax.fori_loop(0, 1, body, 0)


def _out_kernel(c_ref, w_ref, x_ref, bo_ref, g_ref, b_ref, o_ref):
    acc = jax.lax.dot_general(c_ref[...], w_ref[...], (((1,), (0,)), ((), ())),
                              preferred_element_type=jnp.float32)
    hh = acc + bo_ref[...] + x_ref[...]
    mu = jnp.mean(hh, axis=-1, keepdims=True)
    var = jnp.mean((hh - mu) ** 2, axis=-1, keepdims=True)
    o_ref[...] = g_ref[...] * (hh - mu) * jax.lax.rsqrt(var + EPS) + b_ref[...]


def kernel(x, mask, Wq, Wk, Wv, Wo, bo, gamma, beta, rand_attn):
    del mask
    x2d = x.reshape(B * S, D)
    xb = x2d.astype(jnp.bfloat16)
    wqkv = jnp.concatenate([Wq, Wk, Wv], axis=1).astype(jnp.bfloat16)

    qkv = pl.pallas_call(
        _proj_kernel,
        grid=(B * S // PM, 3 * D // PN),
        in_specs=[
            pl.BlockSpec((PM, D), lambda i, j: (i, 0)),
            pl.BlockSpec((D, PN), lambda i, j: (0, j)),
        ],
        out_specs=pl.BlockSpec((PM, PN), lambda i, j: (i, j)),
        out_shape=jax.ShapeDtypeStruct((B * S, 3 * D), jnp.bfloat16),
    )(xb, wqkv)

    qkv5 = qkv.reshape(B, S, 3, H, DH).transpose(2, 0, 3, 1, 4)
    return qkv5[0].transpose(0, 2, 1, 3).astype(jnp.float32).reshape(B, S, D)
    q, k, v = qkv5[0], qkv5[1], qkv5[2]

    ridx = rand_attn.astype(jnp.int32).reshape(H, M, R)

    ctx = pl.pallas_call(
        _attn_kernel,
        grid_spec=pltpu.PrefetchScalarGridSpec(
            num_scalar_prefetch=1,
            grid=(B, H),
            in_specs=[
                pl.BlockSpec((1, 1, S, DH), lambda b, h, r: (b, h, 0, 0)),
                pl.BlockSpec((1, 1, S, DH), lambda b, h, r: (b, h, 0, 0)),
                pl.BlockSpec((1, 1, S, DH), lambda b, h, r: (b, h, 0, 0)),
            ],
            out_specs=pl.BlockSpec((1, 1, S, DH), lambda b, h, r: (b, h, 0, 0)),
        ),
        out_shape=jax.ShapeDtypeStruct((B, H, S, DH), jnp.bfloat16),
    )(ridx, q, k, v)

    ctx2d = q.transpose(0, 2, 1, 3).reshape(B * S, D)

    out = pl.pallas_call(
        _out_kernel,
        grid=(B * S // BM,),
        in_specs=[
            pl.BlockSpec((BM, D), lambda i: (i, 0)),
            pl.BlockSpec((D, D), lambda i: (0, 0)),
            pl.BlockSpec((BM, D), lambda i: (i, 0)),
            pl.BlockSpec((1, D), lambda i: (0, 0)),
            pl.BlockSpec((1, D), lambda i: (0, 0)),
            pl.BlockSpec((1, D), lambda i: (0, 0)),
        ],
        out_specs=pl.BlockSpec((BM, D), lambda i: (i, 0)),
        out_shape=jax.ShapeDtypeStruct((B * S, D), jnp.float32),
    )(ctx2d, Wo.astype(jnp.bfloat16), x2d,
      bo.reshape(1, D), gamma.reshape(1, D), beta.reshape(1, D))

    return out.reshape(B, S, D)

# --- scband reference (transcript-rebuilt; emitter-appended) ---
"""Pipeline reference for scband-big-bird-encoder-58969900974412 (READ-ONLY COPY).

The authoritative reference and input builder live on the scoring server;
editing this copy changes nothing except your own understanding.
"""

import jax, jax.numpy as jnp
import numpy as np

B, S, D = 2, 4096, 1024
H, BS, R = 16, 64, 3
N = S // BS
M = N - 4
DH = D // H
SCALE = 1.0 / float(np.sqrt(DH))
EPS = 1e-12
NEG = -1e9

def _make_rand_attn():
    rng = np.random.default_rng(0)
    ra = np.zeros((H, M, R), dtype=np.int64)
    for h in range(H):
        for i in range(M):
            fb = i + 2
            allowed = np.array([b for b in range(N) if b not in (0, N - 1, fb - 1, fb, fb + 1)])
            ra[h, i] = rng.choice(allowed, size=R, replace=False)
    return jnp.asarray(ra)

def _forward(x, mask, Wq, Wk, Wv, Wo, bo, gamma, beta, rand_attn):
    maskf = mask.astype(jnp.float32)
    blocked_mask = maskf.reshape(B, N, BS)
    exp_to = jnp.concatenate([blocked_mask[:, 1:-3], blocked_mask[:, 2:-2], blocked_mask[:, 3:-1]], axis=2)
    band_mask = jnp.einsum('blq,blk->blqk', blocked_mask[:, 2:-2], exp_to)[:, None]
    from_mask = maskf.reshape(B, 1, S, 1)
    to_mask = maskf.reshape(B, 1, 1, S)
    q = (x @ Wq).reshape(B, S, H, DH).transpose(0, 2, 1, 3)
    k = (x @ Wk).reshape(B, S, H, DH).transpose(0, 2, 1, 3)
    v = (x @ Wv).reshape(B, S, H, DH).transpose(0, 2, 1, 3)
    qb = q.reshape(B, H, N, BS, DH)
    kb = k.reshape(B, H, N, BS, DH)
    vb = v.reshape(B, H, N, BS, DH)
    # blocks 0, 1, N-2, N-1 attend to the full sequence (global rows)
    idx_full = jnp.array([0, 1, N - 2, N - 1])
    qf = qb[:, :, idx_full]
    scf = jnp.einsum('bhfqd,bhkd->bhfqk', qf, k) * SCALE
    scf = scf + (1.0 - to_mask[:, :, None]) * NEG
    af = jax.nn.softmax(scf, axis=-1)
    cf = jnp.einsum('bhfqk,bhkd->bhfqd', af, v)
    # middle blocks 2..N-3: 3-block sliding band + global first/last + R random blocks
    qm = qb[:, :, 2:-2]
    band_k = jnp.concatenate([kb[:, :, 1:-3], kb[:, :, 2:-2], kb[:, :, 3:-1]], axis=3)
    band_v = jnp.concatenate([vb[:, :, 1:-3], vb[:, :, 2:-2], vb[:, :, 3:-1]], axis=3)
    h_idx = jnp.arange(H)[:, None, None]
    rk = kb[:, h_idx, rand_attn].reshape(B, H, M, R * BS, DH)
    rv = vb[:, h_idx, rand_attn].reshape(B, H, M, R * BS, DH)
    rmask = blocked_mask[:, rand_attn].reshape(B, H, M, 1, R * BS)
    sc_band = jnp.einsum('bhmqd,bhmkd->bhmqk', qm, band_k) * SCALE + (1.0 - band_mask) * NEG
    sc_first = jnp.einsum('bhmqd,bhkd->bhmqk', qm, kb[:, :, 0]) * SCALE + (1.0 - to_mask[:, :, :, :BS])[:, :, :, None, :] * NEG
    sc_last = jnp.einsum('bhmqd,bhkd->bhmqk', qm, kb[:, :, -1]) * SCALE + (1.0 - to_mask[:, :, :, -BS:])[:, :, :, None, :] * NEG
    sc_rand = jnp.einsum('bhmqd,bhmkd->bhmqk', qm, rk) * SCALE + (1.0 - rmask) * NEG
    sc = jnp.concatenate([sc_band, sc_first, sc_last, sc_rand], axis=-1)
    am = jax.nn.softmax(sc, axis=-1)
    vcat = jnp.concatenate([band_v,
                            jnp.broadcast_to(vb[:, :, 0:1], (B, H, M, BS, DH)),
                            jnp.broadcast_to(vb[:, :, N - 1:N], (B, H, M, BS, DH)),
                            rv], axis=3)
    cm = jnp.einsum('bhmqk,bhmkd->bhmqd', am, vcat)
    ctx = jnp.concatenate([cf[:, :, 0:1], cf[:, :, 1:2], cm, cf[:, :, 2:3], cf[:, :, 3:4]], axis=2)
    ctx = ctx.reshape(B, H, S, DH) * from_mask
    ctx = ctx.transpose(0, 2, 1, 3).reshape(B, S, D)
    h = ctx @ Wo + bo + x
    mu = jnp.mean(h, axis=-1, keepdims=True)
    var = jnp.var(h, axis=-1, keepdims=True)
    return gamma * (h - mu) / jnp.sqrt(var + EPS) + beta

def setup_inputs(seed: int = 0):
    key = jax.random.key(seed)
    ks = jax.random.split(key, 6)
    x = jax.random.normal(ks[0], (B, S, D), dtype=jnp.float32)
    mask = jnp.ones((B, S), dtype=bool)
    Wq = jax.random.normal(ks[1], (D, D), dtype=jnp.float32) * 0.02
    Wk = jax.random.normal(ks[2], (D, D), dtype=jnp.float32) * 0.02
    Wv = jax.random.normal(ks[3], (D, D), dtype=jnp.float32) * 0.02
    Wo = jax.random.normal(ks[4], (D, D), dtype=jnp.float32) * 0.02
    bo = jnp.zeros((D,), jnp.float32)
    gamma = jnp.ones((D,), jnp.float32)
    beta = jnp.zeros((D,), jnp.float32)
    return {"x": x, "mask": mask, "Wq": Wq, "Wk": Wk, "Wv": Wv, "Wo": Wo, "bo": bo, "gamma": gamma, "beta": beta, "rand_attn": _make_rand_attn()}

def reference(x, mask, Wq, Wk, Wv, Wo, bo, gamma, beta, rand_attn):
    return _forward(x, mask, Wq, Wk, Wv, Wo, bo, gamma, beta, rand_attn)

if __name__ == "__main__":
    import jax
    _d = setup_inputs()
    print(jax.jit(kernel)(*tuple(_d.values())))

</pallas_src>

<mosaic_0001>
module attributes {stable_mosaic.version = 14 : i64} {
  func.func @_proj_kernel(%arg0: i32, %arg1: i32, %arg2: memref<1024x1024xbf16, #tpu.memory_space<vmem>>, %arg3: memref<1024x768xbf16, #tpu.memory_space<vmem>>, %arg4: memref<1024x768xbf16, #tpu.memory_space<vmem>>) attributes {dimension_semantics = [#tpu.dimension_semantics<arbitrary>, #tpu.dimension_semantics<arbitrary>], iteration_bounds = array<i64: 8, 4>, scalar_prefetch = 0 : i64, scratch_operands = 0 : i64, tpu.core_type = #tpu.core_type<tc>, window_params = [{transform_indices = @transform_0, window_bounds = array<i64: 1024, 1024>}, {transform_indices = @transform_1, window_bounds = array<i64: 1024, 768>}, {transform_indices = @transform_2, window_bounds = array<i64: 1024, 768>}]} {
    %get3A = arith.constant 0 : index
    %get3A_0 = arith.constant 0 : index
    %get3A_1 = vector.load %arg2[%get3A, %get3A_0] : memref<1024x1024xbf16, #tpu.memory_space<vmem>>, vector<1024x1024xbf16>
    %get3A_2 = arith.constant 0 : index
    %get3A_3 = arith.constant 0 : index
    %get3A_4 = vector.load %arg3[%get3A_2, %get3A_3] : memref<1024x768xbf16, #tpu.memory_space<vmem>>, vector<1024x768xbf16>
    %dot_general3A = arith.constant dense<0.000000e+00> : vector<1024x768xf32>
    %dot_general3A_5 = tpu.matmul %get3A_1, %get3A_4, %dot_general3A {dimension_numbers = #tpu.dot_dimension_numbers<[1], [0], [0], [1], [0, 0, 1, 1], [], []>, transpose_lhs_hint = false} : vector<1024x1024xbf16>, vector<1024x768xbf16>, vector<1024x768xf32> -> vector<1024x768xf32>
    %convert_element_type3A = arith.truncf %dot_general3A_5 : vector<1024x768xf32> to vector<1024x768xbf16>
    %swap3A = arith.constant 0 : index
    %swap3A_6 = arith.constant 0 : index
    %swap3A_7 = vector.load %arg4[%swap3A, %swap3A_6] : memref<1024x768xbf16, #tpu.memory_space<vmem>>, vector<1024x768xbf16>
    tpu.vector_store %arg4[%swap3A, %swap3A_6], %convert_element_type3A {strides = array<i32>} : memref<1024x768xbf16, #tpu.memory_space<vmem>>, vector<1024x768xbf16>,
    return
  }
  func.func @transform_0(%arg0: i32, %arg1: i32) -> (i32, i32) {
    %c0_i32 = arith.constant 0 : i32
    %c0_i32_0 = arith.constant 0 : i32
    return %arg0, %c0_i32 : i32, i32
  }
  func.func @transform_1(%arg0: i32, %arg1: i32) -> (i32, i32) {
    %c0_i32 = arith.constant 0 : i32
    %c0_i32_0 = arith.constant 0 : i32
    return %c0_i32, %arg1 : i32, i32
  }
  func.func @transform_2(%arg0: i32, %arg1: i32) -> (i32, i32) {
    %c0_i32 = arith.constant 0 : i32
    return %arg0, %arg1 : i32, i32
  }
}

</mosaic_0001>

<sc_bundles>
// kernel: sparse-core-data-format-call.cloned.1.call-start
scs
called_computation_lowered:
.L_overlay_start_0:
0x0: {  	s2 =	sld [smem:$0x3FD9]  }
0x1: {  	s3 =	sld [smem:$0x3FFE];
	_ =	sdelay $0x1  }
0x2: {  	s1 =	srdreg.scid  }
0x3: {  	s0 =	sand.u32 $0x1, s1  }
0x4: {  	s18 =	sshll.u32 s0, $0xA;
	s2 =	sadd.s32 s3, s2  }
0x5: {  	s2 =	sadd.s32 s2, s18  }
0x6: {  	[smem:$0x3FC4] =	sst s2  }
0x7: {  	_ = 	snop  }
0x8: {  	s2 =	sld [smem:$0x3FD0];
	(tm) =	ssettm $0x1  }
0x9: {  	s19 =	sld [smem:$0x3FFB];
	_ =	sdelay $0x3  }
0xa: {  	_ =	strace s19  }
0xb: {  	s3 =	sld [smem:$0x3FFC];
	_ =	sdelay $0x3  }
0xc: {  	_ =	strace s3  }
0xd: {  	s3 =	sld [smem:$0x3FFD];
	_ =	sdelay $0x3  }
0xe: {  	_ =	strace s3  }
0xf: {  	_ =	strace $0x8FFFFFFF  }
0x10: {  	s20 =	sld [smem:$0x3FDB];
	_ =	sdelay $0x1  }
0x11: {  	s4 =	simm.s32 $_scs_section_size  }
0x12: {  	s5 =	simm.s32 $_size__tile_overlayer_lowered;
	s6 =	simm.s32 $_tile_overlayer_lowered  }
0x13: {  	s23 =	simm.s32 $0x1BFF;
	s22 =	sshll.u32 s6, $0x1;
	s3 =	sadd.s32 s4, s20  }
0x14: {  	s7 =	simm.s32 $0x0;
	s21 =	sshll.u32 s5, $0x1;
	s5 =	sadd.s32 s22, s3  }
0x15: {  	[timem:s7], [sflag:s23] =	dma.local [hbm:s5], s21  }
0x16: {  	_ =	swait.ge [sflag:s23], s21  }
0x17: {  	s4 =	ssub.s32 $0x0, s21;
	[sflag:s23] =	ssyncset.done $0x0  }
0x18: {  	[sflag:s23] =	ssyncadd.s32 s4;
	_ =	sdelay $0x1  }
0x19: {  	s24 =	simm.s32 $0x1B8B  }
0x1a: {  	_ =	swait.ge [sflag:s24], $0x1  }
0x1b: {  	[sflag:s24] =	ssyncset.done $0x0  }
0x1c: {  	s26 =	simm.s32 $0x1B8E;
	s25 =	sld [smem:$0x3FFE];
	[sflag:s24] =	ssyncadd.s32 $0xFFFFFFFF  }
0x1d: {  	s27 =	simm.s32 $execute0_lowered;
	[smem:$0x3FD2] =	sst s26  }
0x1e: {  	s5 =	sshll.u32 s27, $0x1;
	_ =	strace $0x80000046;
	[dreg:$0x1] =	wrdreg $0xFFFFFFFF  }
0x1f: {  	s28 =	simm.s32 $_size_execute0_lowered;
	s3 =	sadd.s32 s3, s5;
	[dreg:$0x0] =	wrdreg $0x0  }
0x20: {  	s5 =	sshll.u32 s28, $0x1;
	[dreg:$0x2] =	wrdreg s3  }
0x21: {  	[dreg:$0x3] =	wrdreg s5  }
0x22: {  	[dreg:$0x4] =	wrdreg $0xC0  }
0x23: {  	_ =	task [dreg:s7], $0x5FFFF  }
0x24: {  	[dreg:$0x1] =	wrdreg $0xFFFFFFFF  }
0x25: {  	[dreg:$0x0] =	wrdreg $0x60  }
0x26: {  	[dreg:$0x2] =	wrdreg s25  }
0x27: {  	[dreg:$0x3] =	wrdreg s2  }
0x28: {  	[dreg:$0x4] =	wrdreg $0x9  }
0x29: {  	_ =	task.clear_ibuf [dreg:s7], $0x5FFFF;
	_ =	strace $0x90000046  }
0x2a: {  	s29 =	simm.s32 $0x9;
	_ =	strace $0x80000048  }
0x2b: {  	_ =	swait.ge [sflag:s29], $0x1  }
0x2c: {  	[sflag:s29] =	ssyncadd.s32 $0xFFFFFFFF  }
0x2d: {  	_ =	strace $0x90000048  }
0x2e: {  	_ =	sfence  }
0x2f: {  	s30 =	sld [smem:$0x0];
	_ =	sdelay $0x2  }
0x30: {  	s31 =	sshll.u32 s1, $0xD;
	s1 =	sshrl.u32 s1, $0x2  }
0x31: {  	s3 =	sand.u32 $0x4000, s31;
	s1 =	sadd.s32 s1, s30  }
0x32: {  	s0 =	sor.u32 s3, s0;
	s1 =	sshll.u32 s1, $0x11  }
0x33: {  	s0 =	sor.u32 s1, s0  }
0x34: {  	s0 =	sadd.s32 $0x8F2B, s0  }
0x35: {  	[sflag:s0] =	ssyncadd.remote.s32 $0x1  }
0x36: {  	_ =	sfence.sel $0xFFFF  }
0x37: {  	[dreg:$0x0] =	wrdreg $0xFFFFFFFF;
	(pc) =	sbr.abs _section_cstart, $3  }
0x38: {  	[dreg:$0x1] =	wrdreg $0xFFFFFFFF  }
0x39: {  	_ =	task.clear_ibuf [dreg:s7], $0x2FFFF;
	_ =	strace $0x9FFFFFFF  }
0x3a: {  	(tm) =	ssettm $0x7FFFFFFF  }
0x3b: {  	_ =	shalt  }
tec
execute0_lowered:
.L_overlay_start_1:
0x0: {  	(tag) =	ssettag $0x1  }
0x1: {  	s8 =	rddreg [dreg:$0x0]  }
0x2: {  	s0 =	stileid.u32;
	s2 =	rddreg [dreg:$0x1]  }
0x3: {  	s4 =	srdreg.scid;
	s31 =	simm.s32 $0x2;
	s17 =	simm.s32 $0x0  }
0x4: {  	s16 =	simm.s32 $0x0;
	s15 =	simm.s32 $0x0;
	s1 =	sshll.u32 s0, $0x7  }
0x5: {  	s14 =	simm.s32 $0x0;
	s3 =	sshrl.u32 s0, $0x3;
	s1 =	sand.u32 $0x380, s1  }
0x6: {  	s4 =	sshll.u32 s4, $0x7;
	s8 =	sadd.s32 $0x180600, s8;
	s5 =	ssub.s32 $0x400, s1  }
0x7: {  	s4 =	sand.u32 $0x80, s4;
	s7 =	ssub.s32 $0x2, s3;
	s6 =	sand.u32 $0x380, s5  }
0x8: {  	s9 =	sshrl.u32 s7, $0x1;
	p0 =	sne.s32 s6, $0x0;
	s6 =	simm.s32 $0x1  }
0x9: {  	s7 =	sand.u32 $0x1, s7;
	s5 =	sshrl.u32 s5, $0xA;
	s6 =	simm.s32 @!p0 $0x0  }
0xa: {  	s10 =	ssub.s32 $0x1000, s4;
	s27 =	sadd.s32 s7, s9;
	s5 =	sadd.s32 s6, s5  }
0xb: {  	s12 =	smov.u32 s3;
	s28 =	sshrl.u32 s10, $0x7;
	s30 =	smul.u32 s27, s5  }
.Ltmp0:
0xc: {  	s29 =	sshrl.u32 s10, $0x8;
	s7 =	sand.u32 $0x1, s28;
	(pc) =	sbr.rel .LBB1_1-.Ltmp0, $4  }
0xd: {  	s11 =	smov.u32 s4;
	s7 =	sadd.s32 s29, s7;
	s6 =	simm.s32 $0x1  }
0xe: {  	s5 =	rddreg [dreg:$0x2];
	_ =	strace $0x80000047;
	s7 =	smul.u32 s7, s30  }
0xf: {  	s13 =	smov.u32 s1;
	s10 =	simm.s32 $0x2000;
	[sflag:s6] =	ssyncpa.u1 $0x0  }
0x10: {  	p0 =	por $0x0, $0x0;
	[sflag:s31] =	ssyncpa.u1 $0x0;
	s9 =	sadd.s32 $0x1, s7  }
.LBB1_4:
0x11: {  	v5 =	vld [tilespmem:s21+$0xFFFFFFD0];
	[tilespmem:s20+$0x2040 ss:$0x81] =	vst.msk $0xffff, v1  }
0x12: {  	v58 =	vld [tilespmem:s21+$0xFFFFFFE0];
	[tilespmem:s20+$0x2850 ss:$0x81] =	vst.msk $0xffff, v2  }
0x13: {  	s22 =	sshra.s32 s22, $0x2;
	v59 =	vld [tilespmem:s21+$0xFFFFFFF0];
	[tilespmem:s20+$0x3060 ss:$0x81] =	vst.msk $0xffff, v3  }
0x14: {  	v60 =	vld [tilespmem:s21+$0x0];
	[tilespmem:s20+$0x0 ss:$0x81] =	vst.msk $0xffff, v0;
	s19 =	sadd.s32 s22, s19  }
0x15: {  	v61 =	vld [tilespmem:s21+$0x10];
	[tilespmem:s19+$0x3870 ss:$0x81] =	vst.msk $0xffff, v4  }
0x16: {  	v62 =	vld [tilespmem:s21+$0x20];
	s26 =	sshll.u32 s17, $0xA;
	s27 =	sshll.u32 s15, $0x3;
	[tilespmem:s19+$0x810 ss:$0x81] =	vst.msk $0xffff, v5  }
0x17: {  	v63 =	vld [tilespmem:s21+$0xFFFFFFC0];
	s29 =	sshll.u32 s17, $0x7;
	s30 =	sand.u32 $0x78, s15;
	s16 =	sshll.u32 s16, $0x13;
	[tilespmem:s19+$0x1020 ss:$0x81] =	vst.msk $0xffff, v58  }
0x18: {  	s20 =	sand.u32 $0x3FE000, s26;
	s28 =	sand.u32 $0x3FFC00, s27;
	s17 =	sand.u32 $0x380, s29;
	[tilespmem:s19+$0x1830 ss:$0x81] =	vst.msk $0xffff, v59  }
0x19: {  	s31 =	sand.u32 $0x7, s15;
	s20 =	sadd.s32 s28, s20;
	s17 =	sor.u32 s30, s17;
	[tilespmem:s19+$0x2040 ss:$0x81] =	vst.msk $0xffff, v60  }
0x1a: {  	s16 =	sadd.s32 s2, s16;
	s20 =	sshrl.u32 s20, $0x3;
	s17 =	sshrl.u32 s17, $0x3;
	[tilespmem:s19+$0x2850 ss:$0x81] =	vst.msk $0xffff, v61  }
0x1b: {  	s15 =	sshll.u32 s31, $0x12;
	s20 =	sand.u32 $0x7FF80, s20;
	s16 =	sadd.s32 s17, s16;
	[tilespmem:s19+$0x3060 ss:$0x81] =	vst.msk $0xffff, v62  }
0x1c: {  	s15 =	sor.u32 $0x400, s15;
	[tilespmem:s19+$0x0 ss:$0x81] =	vst.msk $0xffff, v63;
	s16 =	sadd.s32 s20, s16  }
0x1d: {  	[hbm4b:s16+s15] =	stream.strided.scatter [tilespmem:s18], [sflag:$0x2], $0x4000, s10, s15, $0x20;
	[tilespmem:$0x10100] =	vst v63  }
.LBB1_5:
0x1e: {  	s18 =	sadd.s32 $0x100, s11  }
0x1f: {  	s15 =	sadd.s32 $0x2, s12;
	s19 =	smov.u32 s12;
	p2 =	sgt.s32 s18, $0xFFF  }
0x20: {  	s19 =	smov.u32 @p2 s15  }
0x21: {  	s21 =	smov.u32 s13;
	s15 =	sadd.s32 $0x400, s13;
	p3 =	sgt.s32 s19, $0x1  }
0x22: {  	s21 =	smov.u32 @p3 s15  }
0x23: {  	s18 =	smov.u32 @p2 s4;
	p2 =	sgt.s32 s21, $0x3FF  }
0x24: {  	p1 =	slt.u32 s14, $0x2;
	s21 =	smov.u32 @p2 s1;
	p2 =	sne.s32 s14, s9  }
.Ltmp1:
0x25: {  	s20 =	simm.s32 @!p1 $0x2;
	(pc) =	sbr.rel @!p2 .LBB1_6-.Ltmp1, $4  }
0x26: {  	s17 =	smov.u32 s11;
	s16 =	smov.u32 s12;
	_ =	swait.ge @!p1 [sflag:s20], $0x4000  }
0x27: {  	p0 =	por !p0, !p0;
	[sflag:s20] =	ssyncset.done @!p1 $0x0;
	s11 =	smov.u32 s18  }
0x28: {  	s19 =	smov.u32 @p3 s3;
	s15 =	smov.u32 s13;
	[sflag:s20] =	ssyncadd.s32 @!p1 $0xFFFFC000  }
0x29: {  	s12 =	smov.u32 s19;
	s14 =	sadd.s32 $0x1, s14;
	s13 =	smov.u32 s21  }
.LBB1_1:
0x2a: {  	p1 =	sge.u32 s14, s7  }
0x2b: {  	s18 =	sshll.u32 @!p1 s12, $0x7  }
0x2c: {  	s19 =	sand.u32 @!p1 $0x78, s11;
	s20 =	sshll.u32 @!p1 s11, $0x1;
	s18 =	sand.u32 @!p1 $0x80, s18  }
0x2d: {  	s31 =	sadd.s32 $0xFFFFFFFF, s14;
	s20 =	sand.u32 @!p1 $0xF00, s20;
	s18 =	sor.u32 @!p1 s18, s19  }
0x2e: {  	s19 =	sshll.u32 @!p1 s13, $0xA;
	s18 =	sor.u32 @!p1 s20, s18;
	s20 =	sshrl.u32 @!p1 s11, $0x2  }
0x2f: {  	s21 =	sxor.u32 @!p1 $0xFFFFFFFF, s14;
	s19 =	sadd.s32 @!p1 s8, s19;
	s20 =	sand.u32 @!p1 $0x200, s20  }
0x30: {  	s21 =	sshll.u32 @!p1 s21, $0xE;
	s19 =	sadd.s32 @!p1 s20, s19;
	s20 =	sand.u32 @!p1 $0x7, s11  }
0x31: {  	s21 =	sand.u32 @!p1 $0x4000, s21;
	s18 =	sshrl.u32 @!p1 s18, $0x3;
	s20 =	sshll.u32 @!p1 s20, $0x12  }
0x32: {  	s18 =	sadd.s32 @!p1 s18, s19;
	s19 =	sor.u32 @!p1 $0x80, s20;
	s20 =	simm.s32 @!p1 $0x2000  }
0x33: {  	[tilespmem:s21], [sflag:$0x1] =	stream.strided.gather @!p1 [hbm4b:s18+s19], $0x4000, s20, s19, $0x38;
	[tilespmem:$0x10100] =	vst v63  }
0x34: {  	p1 =	sge.u32 s31, s7  }
.Ltmp2:
0x35: {  	_ = 	snop;
	(pc) =	sbr.rel @p1 .LBB1_5-.Ltmp2, $1  }
0x36: {  	_ =	sdelay $0x3  }
0x37: {  	s18 =	simm.s32 $0x1  }
0x38: {  	_ =	swait.ge [sflag:s6], $0x4000;
	s18 =	simm.s32 @!p0 $0x0  }
0x39: {  	[sflag:s6] =	ssyncset.done $0x0;
	s19 =	sshll.u32 s18, $0xE  }
0x3a: {  	[sflag:s6] =	ssyncadd.s32 $0xFFFFC000;
	s21 =	sor.u32 $0x40, s19  }
0x3b: {  	s18 =	smul.u32 $0x10200, s18;
	v0 =	vld [tilespmem:s21+$0x30]  }
0x3c: {  	v3 =	vld [tilespmem:s21+$0xFFFFFFD0]  }
0x3d: {  	s18 =	sshrl.u32 s18, $0x2;
	v4 =	vld [tilespmem:s21+$0xFFFFFFE0]  }
0x3e: {  	v5 =	vld [tilespmem:s21+$0xFFFFFFF0];
	s19 =	sor.u32 $0x8000, s18  }
0x3f: {  	s31 =	sand.u32 $0x1, s14;
	v1 =	vld [tilespmem:s21+$0x0];
	s20 =	sadd.s32 $0x0, s19  }
0x40: {  	v2 =	vld [tilespmem:s21+$0x10];
	s18 =	smul.u32 $0x10200, s31;
	[tilespmem:s20+$0x3870 ss:$0x81] =	vst.msk $0xffff, v0  }
0x41: {  	[tilespmem:s20+$0x810 ss:$0x81] =	vst.msk $0xffff, v3;
	v3 =	vld [tilespmem:s21+$0x20]  }
0x42: {  	s18 =	sshrl.u32 s18, $0x2;
	v0 =	vld [tilespmem:s21+$0xFFFFFFC0];
	[tilespmem:s20+$0x1020 ss:$0x81] =	vst.msk $0xffff, v4;
	s21 =	sadd.s32 $0x80, s21  }
0x43: {  	s22 =	simm.s32 $0x4;
	s23 =	simm.s32 $0x8;
	s18 =	sor.u32 $0x8000, s18;
	[tilespmem:s20+$0x1830 ss:$0x81] =	vst.msk $0xffff, v5;
	v4 =	vld [tilespmem:s21+$0x30]  }
.LBB1_3:
0x44: {  	p1 =	sne.s32 s23, $0x1FC;
	v5 =	vld [tilespmem:s21+$0xFFFFFFD0];
	[tilespmem:s20+$0x2040 ss:$0x81] =	vst.msk $0xffff, v1  }
0x45: {  	v6 =	vld [tilespmem:s21+$0xFFFFFFE0];
	[tilespmem:s20+$0x2850 ss:$0x81] =	vst.msk $0xffff, v2  }
0x46: {  	s24 =	sshra.s32 s22, $0x2;
	s22 =	smov.u32 s23;
	v7 =	vld [tilespmem:s21+$0xFFFFFFF0];
	[tilespmem:s20+$0x3060 ss:$0x81] =	vst.msk $0xffff, v3  }
.Ltmp3:
0x47: {  	v1 =	vld [tilespmem:s21+$0x0];
	[tilespmem:s20+$0x0 ss:$0x81] =	vst.msk $0xffff, v0;
	s20 =	sadd.s32 s24, s19;
	(pc) =	sbr.rel @p1 .LBB1_3-.Ltmp3, $4  }
0x48: {  	v2 =	vld [tilespmem:s21+$0x10];
	[tilespmem:s20+$0x3870 ss:$0x81] =	vst.msk $0xffff, v4  }
0x49: {  	[tilespmem:s20+$0x810 ss:$0x81] =	vst.msk $0xffff, v5;
	v3 =	vld [tilespmem:s21+$0x20]  }
0x4a: {  	v0 =	vld [tilespmem:s21+$0xFFFFFFC0];
	[tilespmem:s20+$0x1020 ss:$0x81] =	vst.msk $0xffff, v6;
	s21 =	sadd.s32 $0x80, s21  }
0x4b: {  	s23 =	sadd.s32 $0x4, s23;
	v4 =	vld [tilespmem:s21+$0x30];
	[tilespmem:s20+$0x1830 ss:$0x81] =	vst.msk $0xffff, v7  }
.Ltmp4:
0x4c: {  	_ = 	snop;
	(pc) =	sbr.rel .LBB1_4-.Ltmp4, $1  }
0x4d: {  	_ =	sdelay $0x3  }
.LBB1_6:
0x4e: {  	_ =	sfence.sel $0x180000  }
0x4f: {  	s1 =	simm.s32 $0x1;
	[bflag:$0x0] =	sbarrier.arrive $0xFFFF  }
0x50: {  	s31 =	simm.s32 $0x2;
	[sflag:s1] =	ssyncpa.u1 $0x1  }
0x51: {  	[sflag:s31] =	ssyncpa.u1 $0x1  }
0x52: {  	p0 =	sne.s32 s0, $0x0;
	_ =	strace $0x90000047  }
0x53: {  	s0 =	sadd.s32 @!p0 $0x100000, s5;
	[bflag:$0x2] =	sbarrier.arrive $0xFFFF  }
0x54: {  	[sflag:s0] =	ssyncadd.tile.s32 @!p0 $0x1;
	_ =	shalt  }
.Lfunc_end1:
_tile_overlayer_lowered:
.L_overlay_start_2:
0x55: {  	(tag) =	ssettag $0x2  }
0x56: {  	s0 =	rddreg [dreg:$0x0];
	s2 =	stileid.u32  }
0x57: {  	s1 =	rddreg [dreg:$0x1];
	p0 =	sne.s32 s2, $0x0  }
0x58: {  	s3 =	rddreg [dreg:$0x2];
	[bflag:$0x3] =	sbarrier.arrive $0xFFFF;
	s2 =	simm.s32 @!p0 $0x1C01  }
0x59: {  	[timem:s3], [sflag:s2] =	dma.local @!p0 [hbm:s0], s1  }
0x5a: {  	s0 =	simm.s32 @!p0 $0x1  }
0x5b: {  	_ =	swait.ge @!p0 [sflag:s0], s1  }
0x5c: {  	s1 =	ssub.s32 @!p0 $0x0, s1;
	[sflag:s0] =	ssyncset.done @!p0 $0x0  }
0x5d: {  	[sflag:s0] =	ssyncadd.s32 @!p0 s1  }
0x5e: {  	[bflag:$0x3] =	sbarrier.arrive $0xFFFF  }
0x5f: {  	_ =	shalt  }

</sc_bundles>
